<compile_context>
chip_gen: v7x
topology: tpu7x:2x2x1
jax: 0.10.2.dev20260603
libtpu: 0.0.44.dev20260713+nightly
codegen_flags: <defaults>
</compile_context>

<pallas_src>
import jax
import jax.numpy as jnp
from jax import lax
from jax.experimental import pallas as pl
from jax.experimental.pallas import tpu as pltpu
from jax.experimental.pallas import tpu_sc as plsc

_BLOCK_ROWS = 256
_LANES = 16
_NUM_CORES = 2
_NUM_SUBCORES = 16
_NW = _NUM_CORES * _NUM_SUBCORES
_DBLK = 128


def _copy_block(x_ref, o_ref):
    o_ref[...] = x_ref[...]


def _tc_copy(x):
    n_rows, n_cols = x.shape
    return pl.pallas_call(
        _copy_block,
        grid=(n_rows // _BLOCK_ROWS,),
        in_specs=[pl.BlockSpec((_BLOCK_ROWS, n_cols), lambda i: (i, 0))],
        out_specs=pl.BlockSpec((_BLOCK_ROWS, n_cols), lambda i: (i, 0)),
        out_shape=jax.ShapeDtypeStruct(x.shape, x.dtype),
        compiler_params=pltpu.CompilerParams(
            dimension_semantics=("parallel",),
        ),
    )(x)


def _make_sc_diag(n, dtype):
    blocks_per_w = n // _DBLK // _NW
    mesh = plsc.VectorSubcoreMesh(
        core_axis_name="c", subcore_axis_name="s"
    )

    def body(fill_hbm, y_ref, fill_v, blk_v, sem):
        wid = lax.axis_index("s") * _NUM_CORES + lax.axis_index("c")
        base = wid * (blocks_per_w * _DBLK)
        pltpu.sync_copy(fill_hbm, fill_v)
        for t in range(blocks_per_w):
            b = base + t * _DBLK
            pltpu.make_async_copy(
                y_ref.at[pl.ds(b, _DBLK), pl.ds(b, _DBLK)],
                blk_v.at[t],
                sem,
            ).start()
        for t in range(blocks_per_w):
            b = base + t * _DBLK
            pltpu.make_async_copy(
                y_ref.at[pl.ds(b, _DBLK), pl.ds(b, _DBLK)],
                blk_v.at[t],
                sem,
            ).wait()
        fv = fill_v[...]
        lane = lax.iota(jnp.int32, _LANES)
        for t in range(blocks_per_w):
            for g in range(_DBLK // _LANES):
                idxv = lane + g * _LANES
                plsc.store_scatter(blk_v.at[t], (idxv, idxv), fv)
        for t in range(blocks_per_w):
            b = base + t * _DBLK
            pltpu.make_async_copy(
                blk_v.at[t],
                y_ref.at[pl.ds(b, _DBLK), pl.ds(b, _DBLK)],
                sem,
            ).start()
        for t in range(blocks_per_w):
            b = base + t * _DBLK
            pltpu.make_async_copy(
                blk_v.at[t],
                y_ref.at[pl.ds(b, _DBLK), pl.ds(b, _DBLK)],
                sem,
            ).wait()

    return pl.kernel(
        body,
        out_type=(),
        mesh=mesh,
        compiler_params=pltpu.CompilerParams(needs_layout_passes=False),
        scratch_types=[
            pltpu.VMEM((_LANES,), dtype),
            pltpu.VMEM((blocks_per_w, _DBLK, _DBLK), dtype),
            pltpu.SemaphoreType.DMA,
        ],
    )


def kernel(x, fill_value):
    n = min(x.shape)
    y = _tc_copy(x)
    fill_arr = jnp.full((_LANES,), fill_value, x.dtype)
    y_ref = jax.new_ref(y)
    _make_sc_diag(n, x.dtype)(fill_arr, y_ref)
    return y_ref[...]

# --- scband reference (transcript-rebuilt; emitter-appended) ---
"""Pipeline reference for scband-model-70549132804296 (READ-ONLY COPY).

The authoritative reference and input builder live on the scoring server;
editing this copy changes nothing except your own understanding.
"""

import jax, jax.numpy as jnp
import numpy as np


def setup_inputs(seed: int = 0) -> dict:
    key = jax.random.key(seed)
    x = jax.random.normal(key, (8192, 8192), dtype=jnp.float32)
    fill_value = 3  # scalar (harness treats shape=[] int as python int)
    return {"x": x, "fill_value": fill_value}


def reference(x, fill_value):
    # torch.fill_diagonal_(x.clone(), fill_value, wrap=False) for a 2D tensor:
    # overwrite diagonal entries with fill_value. jnp .at[].set is functional,
    # which matches the clone-then-mutate semantics.
    n = min(x.shape[0], x.shape[1])
    idx = jnp.arange(n)
    out = x.at[idx, idx].set(jnp.asarray(fill_value, dtype=x.dtype))
    return out

if __name__ == "__main__":
    import jax
    _d = setup_inputs()
    print(jax.jit(kernel)(*tuple(_d.values())))

</pallas_src>

<mosaic_0001>
#map = affine_map<(d0, d1) -> (0)>
#map1 = affine_map<(d0, d1) -> (0, 0)>
module attributes {stable_mosaic.version = 14 : i64} {
  func.func @new_body(%arg0: i32, %arg1: i32, %arg2: memref<16xf32, #tpu.memory_space<hbm>>, %arg3: memref<8192x8192xf32, #tpu.memory_space<hbm>>, %arg4: memref<8192x8192xf32, #tpu.memory_space<hbm>>, %arg5: memref<16xf32, #tpu.memory_space<vmem>>, %arg6: memref<2x128x128xf32, #tpu.memory_space<vmem>>, %arg7: memref<!tpu.dma_semaphore, #tpu.memory_space<semaphore_mem>>) attributes {dimension_semantics = [#tpu.dimension_semantics<core_parallel>, #tpu.dimension_semantics<subcore_parallel>], iteration_bounds = array<i64: 2, 16>, scalar_prefetch = 0 : i64, scratch_operands = 3 : i64, tpu.core_type = #tpu.core_type<sc_vector_subcore>, window_params = [{transform_indices = #map}, {transform_indices = #map1}, {transform_indices = #map1}]} {
    %mul3A = arith.constant 2 : i32
    %mul3A_0 = arith.muli %arg1, %mul3A : i32
    %add3A = arith.addi %mul3A_0, %arg0 : i32
    %mul3A_1 = arith.constant 256 : i32
    %mul3A_2 = arith.muli %add3A, %mul3A_1 : i32
    "tpu.region"() ({
      %run_scoped3A = tpu.sem_alloc : memref<!tpu.dma_semaphore, #tpu.memory_space<semaphore_mem>>
      tpu.enqueue_dma source(%arg2 : memref<16xf32, #tpu.memory_space<hbm>>) target(%arg5 : memref<16xf32, #tpu.memory_space<vmem>>) target_semaphore(%run_scoped3A : memref<!tpu.dma_semaphore, #tpu.memory_space<semaphore_mem>>)
      tpu.wait_dma2 semaphore(%run_scoped3A : memref<!tpu.dma_semaphore, #tpu.memory_space<semaphore_mem>>) src(%arg2 : memref<16xf32, #tpu.memory_space<hbm>>) dst(%arg5 : memref<16xf32, #tpu.memory_space<vmem>>)
      tpu.yield
    }) : () -> ()
    %add3A_3 = arith.constant 0 : i32
    %add3A_4 = arith.addi %mul3A_2, %add3A_3 : i32
    %dma_start3A = arith.constant 0 : i32
    %dma_start3A_5 = arith.constant 0 : i32
    %dma_start3A_6 = arith.constant 0 : i32
    %dma_start3A_7 = tpu.memref_slice %arg6[%dma_start3A, %dma_start3A_5, %dma_start3A_6] : memref<2x128x128xf32, #tpu.memory_space<vmem>> -> memref<1x128x128xf32, #tpu.memory_space<vmem>>
    %dma_start3A_8 = tpu.memref_squeeze %dma_start3A_7 : memref<1x128x128xf32, #tpu.memory_space<vmem>> -> memref<128x128xf32, #tpu.memory_space<vmem>>
    %dma_start3A_9 = tpu.memref_slice %arg3[%add3A_4, %add3A_4] : memref<8192x8192xf32, #tpu.memory_space<hbm>> -> memref<128x128xf32, #tpu.memory_space<hbm>>
    %dma_start3A_10 = arith.constant 0 : i32
    %dma_start3A_11 = arith.constant 0 : i32
    %dma_start3A_12 = tpu.memref_slice %arg6[%dma_start3A, %dma_start3A_10, %dma_start3A_11] : memref<2x128x128xf32, #tpu.memory_space<vmem>> -> memref<1x128x128xf32, #tpu.memory_space<vmem>>
    %dma_start3A_13 = tpu.memref_squeeze %dma_start3A_12 : memref<1x128x128xf32, #tpu.memory_space<vmem>> -> memref<128x128xf32, #tpu.memory_space<vmem>>
    %dma_start3A_14 = tpu.memref_slice %arg3[%add3A_4, %add3A_4] : memref<8192x8192xf32, #tpu.memory_space<hbm>> -> memref<128x128xf32, #tpu.memory_space<hbm>>
    tpu.enqueue_dma source(%dma_start3A_14 : memref<128x128xf32, #tpu.memory_space<hbm>>) target(%dma_start3A_13 : memref<128x128xf32, #tpu.memory_space<vmem>>) target_semaphore(%arg7 : memref<!tpu.dma_semaphore, #tpu.memory_space<semaphore_mem>>)
    %add3A_15 = arith.constant 128 : i32
    %add3A_16 = arith.addi %mul3A_2, %add3A_15 : i32
    %dma_start3A_17 = arith.constant 1 : i32
    %dma_start3A_18 = arith.constant 0 : i32
    %dma_start3A_19 = arith.constant 0 : i32
    %dma_start3A_20 = tpu.memref_slice %arg6[%dma_start3A_17, %dma_start3A_18, %dma_start3A_19] : memref<2x128x128xf32, #tpu.memory_space<vmem>> -> memref<1x128x128xf32, #tpu.memory_space<vmem>>
    %dma_start3A_21 = tpu.memref_squeeze %dma_start3A_20 : memref<1x128x128xf32, #tpu.memory_space<vmem>> -> memref<128x128xf32, #tpu.memory_space<vmem>>
    %dma_start3A_22 = tpu.memref_slice %arg3[%add3A_16, %add3A_16] : memref<8192x8192xf32, #tpu.memory_space<hbm>> -> memref<128x128xf32, #tpu.memory_space<hbm>>
    %dma_start3A_23 = arith.constant 0 : i32
    %dma_start3A_24 = arith.constant 0 : i32
    %dma_start3A_25 = tpu.memref_slice %arg6[%dma_start3A_17, %dma_start3A_23, %dma_start3A_24] : memref<2x128x128xf32, #tpu.memory_space<vmem>> -> memref<1x128x128xf32, #tpu.memory_space<vmem>>
    %dma_start3A_26 = tpu.memref_squeeze %dma_start3A_25 : memref<1x128x128xf32, #tpu.memory_space<vmem>> -> memref<128x128xf32, #tpu.memory_space<vmem>>
    %dma_start3A_27 = tpu.memref_slice %arg3[%add3A_16, %add3A_16] : memref<8192x8192xf32, #tpu.memory_space<hbm>> -> memref<128x128xf32, #tpu.memory_space<hbm>>
    tpu.enqueue_dma source(%dma_start3A_27 : memref<128x128xf32, #tpu.memory_space<hbm>>) target(%dma_start3A_26 : memref<128x128xf32, #tpu.memory_space<vmem>>) target_semaphore(%arg7 : memref<!tpu.dma_semaphore, #tpu.memory_space<semaphore_mem>>)
    %add3A_28 = arith.constant 0 : i32
    %add3A_29 = arith.addi %mul3A_2, %add3A_28 : i32
    %dma_wait3A = arith.constant 0 : i32
    %dma_wait3A_30 = arith.constant 0 : i32
    %dma_wait3A_31 = arith.constant 0 : i32
    %dma_wait3A_32 = tpu.memref_slice %arg6[%dma_wait3A, %dma_wait3A_30, %dma_wait3A_31] : memref<2x128x128xf32, #tpu.memory_space<vmem>> -> memref<1x128x128xf32, #tpu.memory_space<vmem>>
    %dma_wait3A_33 = tpu.memref_squeeze %dma_wait3A_32 : memref<1x128x128xf32, #tpu.memory_space<vmem>> -> memref<128x128xf32, #tpu.memory_space<vmem>>
    %dma_wait3A_34 = tpu.memref_slice %arg3[%add3A_29, %add3A_29] : memref<8192x8192xf32, #tpu.memory_space<hbm>> -> memref<128x128xf32, #tpu.memory_space<hbm>>
    %dma_wait3A_35 = arith.constant 0 : i32
    %dma_wait3A_36 = arith.constant 0 : i32
    %dma_wait3A_37 = tpu.memref_slice %arg6[%dma_wait3A, %dma_wait3A_35, %dma_wait3A_36] : memref<2x128x128xf32, #tpu.memory_space<vmem>> -> memref<1x128x128xf32, #tpu.memory_space<vmem>>
    %dma_wait3A_38 = tpu.memref_squeeze %dma_wait3A_37 : memref<1x128x128xf32, #tpu.memory_space<vmem>> -> memref<128x128xf32, #tpu.memory_space<vmem>>
    %dma_wait3A_39 = tpu.memref_slice %arg3[%add3A_29, %add3A_29] : memref<8192x8192xf32, #tpu.memory_space<hbm>> -> memref<128x128xf32, #tpu.memory_space<hbm>>
    tpu.wait_dma2 semaphore(%arg7 : memref<!tpu.dma_semaphore, #tpu.memory_space<semaphore_mem>>) src(%dma_wait3A_39 : memref<128x128xf32, #tpu.memory_space<hbm>>) dst(%dma_wait3A_38 : memref<128x128xf32, #tpu.memory_space<vmem>>)
    %add3A_40 = arith.constant 128 : i32
    %add3A_41 = arith.addi %mul3A_2, %add3A_40 : i32
    %dma_wait3A_42 = arith.constant 1 : i32
    %dma_wait3A_43 = arith.constant 0 : i32
    %dma_wait3A_44 = arith.constant 0 : i32
    %dma_wait3A_45 = tpu.memref_slice %arg6[%dma_wait3A_42, %dma_wait3A_43, %dma_wait3A_44] : memref<2x128x128xf32, #tpu.memory_space<vmem>> -> memref<1x128x128xf32, #tpu.memory_space<vmem>>
    %dma_wait3A_46 = tpu.memref_squeeze %dma_wait3A_45 : memref<1x128x128xf32, #tpu.memory_space<vmem>> -> memref<128x128xf32, #tpu.memory_space<vmem>>
    %dma_wait3A_47 = tpu.memref_slice %arg3[%add3A_41, %add3A_41] : memref<8192x8192xf32, #tpu.memory_space<hbm>> -> memref<128x128xf32, #tpu.memory_space<hbm>>
    %dma_wait3A_48 = arith.constant 0 : i32
    %dma_wait3A_49 = arith.constant 0 : i32
    %dma_wait3A_50 = tpu.memref_slice %arg6[%dma_wait3A_42, %dma_wait3A_48, %dma_wait3A_49] : memref<2x128x128xf32, #tpu.memory_space<vmem>> -> memref<1x128x128xf32, #tpu.memory_space<vmem>>
    %dma_wait3A_51 = tpu.memref_squeeze %dma_wait3A_50 : memref<1x128x128xf32, #tpu.memory_space<vmem>> -> memref<128x128xf32, #tpu.memory_space<vmem>>
    %dma_wait3A_52 = tpu.memref_slice %arg3[%add3A_41, %add3A_41] : memref<8192x8192xf32, #tpu.memory_space<hbm>> -> memref<128x128xf32, #tpu.memory_space<hbm>>
    tpu.wait_dma2 semaphore(%arg7 : memref<!tpu.dma_semaphore, #tpu.memory_space<semaphore_mem>>) src(%dma_wait3A_52 : memref<128x128xf32, #tpu.memory_space<hbm>>) dst(%dma_wait3A_51 : memref<128x128xf32, #tpu.memory_space<vmem>>)
    %get3A = arith.constant 0 : index
    %get3A_53 = tpu.vector_load %arg5[%get3A] {strides = array<i32>} : memref<16xf32, #tpu.memory_space<vmem>>, vector<16xf32>,
    %iota3A = tpu.iota {dimensions = array<i32: 0>} : vector<16xi32>
    %add3A_54 = arith.constant 0 : i32
    %add3A_55 = vector.broadcast %add3A_54 : i32 to vector<16xi32>
    %add3A_56 = arith.addi %iota3A, %add3A_55 : vector<16xi32>
    %scatter3A = arith.constant 0 : i32
    %scatter3A_57 = arith.constant 0 : i32
    %scatter3A_58 = arith.constant 0 : i32
    %scatter3A_59 = tpu.memref_slice %arg6[%scatter3A, %scatter3A_57, %scatter3A_58] : memref<2x128x128xf32, #tpu.memory_space<vmem>> -> memref<1x128x128xf32, #tpu.memory_space<vmem>>
    %scatter3A_60 = tpu.memref_squeeze %scatter3A_59 : memref<1x128x128xf32, #tpu.memory_space<vmem>> -> memref<128x128xf32, #tpu.memory_space<vmem>>
    tpu.vector_store_idx %scatter3A_60[%add3A_56, %add3A_56], %get3A_53 : memref<128x128xf32, #tpu.memory_space<vmem>>[vector<16xi32>, vector<16xi32>], vector<16xf32>,
    %add3A_61 = arith.constant 16 : i32
    %add3A_62 = vector.broadcast %add3A_61 : i32 to vector<16xi32>
    %add3A_63 = arith.addi %iota3A, %add3A_62 : vector<16xi32>
    %scatter3A_64 = arith.constant 0 : i32
    %scatter3A_65 = arith.constant 0 : i32
    %scatter3A_66 = arith.constant 0 : i32
    %scatter3A_67 = tpu.memref_slice %arg6[%scatter3A_64, %scatter3A_65, %scatter3A_66] : memref<2x128x128xf32, #tpu.memory_space<vmem>> -> memref<1x128x128xf32, #tpu.memory_space<vmem>>
    %scatter3A_68 = tpu.memref_squeeze %scatter3A_67 : memref<1x128x128xf32, #tpu.memory_space<vmem>> -> memref<128x128xf32, #tpu.memory_space<vmem>>
    tpu.vector_store_idx %scatter3A_68[%add3A_63, %add3A_63], %get3A_53 : memref<128x128xf32, #tpu.memory_space<vmem>>[vector<16xi32>, vector<16xi32>], vector<16xf32>,
    %add3A_69 = arith.constant 32 : i32
    %add3A_70 = vector.broadcast %add3A_69 : i32 to vector<16xi32>
    %add3A_71 = arith.addi %iota3A, %add3A_70 : vector<16xi32>
    %scatter3A_72 = arith.constant 0 : i32
    %scatter3A_73 = arith.constant 0 : i32
    %scatter3A_74 = arith.constant 0 : i32
    %scatter3A_75 = tpu.memref_slice %arg6[%scatter3A_72, %scatter3A_73, %scatter3A_74] : memref<2x128x128xf32, #tpu.memory_space<vmem>> -> memref<1x128x128xf32, #tpu.memory_space<vmem>>
    %scatter3A_76 = tpu.memref_squeeze %scatter3A_75 : memref<1x128x128xf32, #tpu.memory_space<vmem>> -> memref<128x128xf32, #tpu.memory_space<vmem>>
    tpu.vector_store_idx %scatter3A_76[%add3A_71, %add3A_71], %get3A_53 : memref<128x128xf32, #tpu.memory_space<vmem>>[vector<16xi32>, vector<16xi32>], vector<16xf32>,
    %add3A_77 = arith.constant 48 : i32
    %add3A_78 = vector.broadcast %add3A_77 : i32 to vector<16xi32>
    %add3A_79 = arith.addi %iota3A, %add3A_78 : vector<16xi32>
    %scatter3A_80 = arith.constant 0 : i32
    %scatter3A_81 = arith.constant 0 : i32
    %scatter3A_82 = arith.constant 0 : i32
    %scatter3A_83 = tpu.memref_slice %arg6[%scatter3A_80, %scatter3A_81, %scatter3A_82] : memref<2x128x128xf32, #tpu.memory_space<vmem>> -> memref<1x128x128xf32, #tpu.memory_space<vmem>>
    %scatter3A_84 = tpu.memref_squeeze %scatter3A_83 : memref<1x128x128xf32, #tpu.memory_space<vmem>> -> memref<128x128xf32, #tpu.memory_space<vmem>>
    tpu.vector_store_idx %scatter3A_84[%add3A_79, %add3A_79], %get3A_53 : memref<128x128xf32, #tpu.memory_space<vmem>>[vector<16xi32>, vector<16xi32>], vector<16xf32>,
    %add3A_85 = arith.constant 64 : i32
    %add3A_86 = vector.broadcast %add3A_85 : i32 to vector<16xi32>
    %add3A_87 = arith.addi %iota3A, %add3A_86 : vector<16xi32>
    %scatter3A_88 = arith.constant 0 : i32
    %scatter3A_89 = arith.constant 0 : i32
    %scatter3A_90 = arith.constant 0 : i32
    %scatter3A_91 = tpu.memref_slice %arg6[%scatter3A_88, %scatter3A_89, %scatter3A_90] : memref<2x128x128xf32, #tpu.memory_space<vmem>> -> memref<1x128x128xf32, #tpu.memory_space<vmem>>
    %scatter3A_92 = tpu.memref_squeeze %scatter3A_91 : memref<1x128x128xf32, #tpu.memory_space<vmem>> -> memref<128x128xf32, #tpu.memory_space<vmem>>
    tpu.vector_store_idx %scatter3A_92[%add3A_87, %add3A_87], %get3A_53 : memref<128x128xf32, #tpu.memory_space<vmem>>[vector<16xi32>, vector<16xi32>], vector<16xf32>,
    %add3A_93 = arith.constant 80 : i32
    %add3A_94 = vector.broadcast %add3A_93 : i32 to vector<16xi32>
    %add3A_95 = arith.addi %iota3A, %add3A_94 : vector<16xi32>
    %scatter3A_96 = arith.constant 0 : i32
    %scatter3A_97 = arith.constant 0 : i32
    %scatter3A_98 = arith.constant 0 : i32
    %scatter3A_99 = tpu.memref_slice %arg6[%scatter3A_96, %scatter3A_97, %scatter3A_98] : memref<2x128x128xf32, #tpu.memory_space<vmem>> -> memref<1x128x128xf32, #tpu.memory_space<vmem>>
    %scatter3A_100 = tpu.memref_squeeze %scatter3A_99 : memref<1x128x128xf32, #tpu.memory_space<vmem>> -> memref<128x128xf32, #tpu.memory_space<vmem>>
    tpu.vector_store_idx %scatter3A_100[%add3A_95, %add3A_95], %get3A_53 : memref<128x128xf32, #tpu.memory_space<vmem>>[vector<16xi32>, vector<16xi32>], vector<16xf32>,
    %add3A_101 = arith.constant 96 : i32
    %add3A_102 = vector.broadcast %add3A_101 : i32 to vector<16xi32>
    %add3A_103 = arith.addi %iota3A, %add3A_102 : vector<16xi32>
    %scatter3A_104 = arith.constant 0 : i32
    %scatter3A_105 = arith.constant 0 : i32
    %scatter3A_106 = arith.constant 0 : i32
    %scatter3A_107 = tpu.memref_slice %arg6[%scatter3A_104, %scatter3A_105, %scatter3A_106] : memref<2x128x128xf32, #tpu.memory_space<vmem>> -> memref<1x128x128xf32, #tpu.memory_space<vmem>>
    %scatter3A_108 = tpu.memref_squeeze %scatter3A_107 : memref<1x128x128xf32, #tpu.memory_space<vmem>> -> memref<128x128xf32, #tpu.memory_space<vmem>>
    tpu.vector_store_idx %scatter3A_108[%add3A_103, %add3A_103], %get3A_53 : memref<128x128xf32, #tpu.memory_space<vmem>>[vector<16xi32>, vector<16xi32>], vector<16xf32>,
    %add3A_109 = arith.constant 112 : i32
    %add3A_110 = vector.broadcast %add3A_109 : i32 to vector<16xi32>
    %add3A_111 = arith.addi %iota3A, %add3A_110 : vector<16xi32>
    %scatter3A_112 = arith.constant 0 : i32
    %scatter3A_113 = arith.constant 0 : i32
    %scatter3A_114 = arith.constant 0 : i32
    %scatter3A_115 = tpu.memref_slice %arg6[%scatter3A_112, %scatter3A_113, %scatter3A_114] : memref<2x128x128xf32, #tpu.memory_space<vmem>> -> memref<1x128x128xf32, #tpu.memory_space<vmem>>
    %scatter3A_116 = tpu.memref_squeeze %scatter3A_115 : memref<1x128x128xf32, #tpu.memory_space<vmem>> -> memref<128x128xf32, #tpu.memory_space<vmem>>
    tpu.vector_store_idx %scatter3A_116[%add3A_111, %add3A_111], %get3A_53 : memref<128x128xf32, #tpu.memory_space<vmem>>[vector<16xi32>, vector<16xi32>], vector<16xf32>,
    %add3A_117 = arith.constant 0 : i32
    %add3A_118 = vector.broadcast %add3A_117 : i32 to vector<16xi32>
    %add3A_119 = arith.addi %iota3A, %add3A_118 : vector<16xi32>
    %scatter3A_120 = arith.constant 1 : i32
    %scatter3A_121 = arith.constant 0 : i32
    %scatter3A_122 = arith.constant 0 : i32
    %scatter3A_123 = tpu.memref_slice %arg6[%scatter3A_120, %scatter3A_121, %scatter3A_122] : memref<2x128x128xf32, #tpu.memory_space<vmem>> -> memref<1x128x128xf32, #tpu.memory_space<vmem>>
    %scatter3A_124 = tpu.memref_squeeze %scatter3A_123 : memref<1x128x128xf32, #tpu.memory_space<vmem>> -> memref<128x128xf32, #tpu.memory_space<vmem>>
    tpu.vector_store_idx %scatter3A_124[%add3A_119, %add3A_119], %get3A_53 : memref<128x128xf32, #tpu.memory_space<vmem>>[vector<16xi32>, vector<16xi32>], vector<16xf32>,
    %add3A_125 = arith.constant 16 : i32
    %add3A_126 = vector.broadcast %add3A_125 : i32 to vector<16xi32>
    %add3A_127 = arith.addi %iota3A, %add3A_126 : vector<16xi32>
    %scatter3A_128 = arith.constant 1 : i32
    %scatter3A_129 = arith.constant 0 : i32
    %scatter3A_130 = arith.constant 0 : i32
    %scatter3A_131 = tpu.memref_slice %arg6[%scatter3A_128, %scatter3A_129, %scatter3A_130] : memref<2x128x128xf32, #tpu.memory_space<vmem>> -> memref<1x128x128xf32, #tpu.memory_space<vmem>>
    %scatter3A_132 = tpu.memref_squeeze %scatter3A_131 : memref<1x128x128xf32, #tpu.memory_space<vmem>> -> memref<128x128xf32, #tpu.memory_space<vmem>>
    tpu.vector_store_idx %scatter3A_132[%add3A_127, %add3A_127], %get3A_53 : memref<128x128xf32, #tpu.memory_space<vmem>>[vector<16xi32>, vector<16xi32>], vector<16xf32>,
    %add3A_133 = arith.constant 32 : i32
    %add3A_134 = vector.broadcast %add3A_133 : i32 to vector<16xi32>
    %add3A_135 = arith.addi %iota3A, %add3A_134 : vector<16xi32>
    %scatter3A_136 = arith.constant 1 : i32
    %scatter3A_137 = arith.constant 0 : i32
    %scatter3A_138 = arith.constant 0 : i32
    %scatter3A_139 = tpu.memref_slice %arg6[%scatter3A_136, %scatter3A_137, %scatter3A_138] : memref<2x128x128xf32, #tpu.memory_space<vmem>> -> memref<1x128x128xf32, #tpu.memory_space<vmem>>
    %scatter3A_140 = tpu.memref_squeeze %scatter3A_139 : memref<1x128x128xf32, #tpu.memory_space<vmem>> -> memref<128x128xf32, #tpu.memory_space<vmem>>
    tpu.vector_store_idx %scatter3A_140[%add3A_135, %add3A_135], %get3A_53 : memref<128x128xf32, #tpu.memory_space<vmem>>[vector<16xi32>, vector<16xi32>], vector<16xf32>,
    %add3A_141 = arith.constant 48 : i32
    %add3A_142 = vector.broadcast %add3A_141 : i32 to vector<16xi32>
    %add3A_143 = arith.addi %iota3A, %add3A_142 : vector<16xi32>
    %scatter3A_144 = arith.constant 1 : i32
    %scatter3A_145 = arith.constant 0 : i32
    %scatter3A_146 = arith.constant 0 : i32
    %scatter3A_147 = tpu.memref_slice %arg6[%scatter3A_144, %scatter3A_145, %scatter3A_146] : memref<2x128x128xf32, #tpu.memory_space<vmem>> -> memref<1x128x128xf32, #tpu.memory_space<vmem>>
    %scatter3A_148 = tpu.memref_squeeze %scatter3A_147 : memref<1x128x128xf32, #tpu.memory_space<vmem>> -> memref<128x128xf32, #tpu.memory_space<vmem>>
    tpu.vector_store_idx %scatter3A_148[%add3A_143, %add3A_143], %get3A_53 : memref<128x128xf32, #tpu.memory_space<vmem>>[vector<16xi32>, vector<16xi32>], vector<16xf32>,
    %add3A_149 = arith.constant 64 : i32
    %add3A_150 = vector.broadcast %add3A_149 : i32 to vector<16xi32>
    %add3A_151 = arith.addi %iota3A, %add3A_150 : vector<16xi32>
    %scatter3A_152 = arith.constant 1 : i32
    %scatter3A_153 = arith.constant 0 : i32
    %scatter3A_154 = arith.constant 0 : i32
    %scatter3A_155 = tpu.memref_slice %arg6[%scatter3A_152, %scatter3A_153, %scatter3A_154] : memref<2x128x128xf32, #tpu.memory_space<vmem>> -> memref<1x128x128xf32, #tpu.memory_space<vmem>>
    %scatter3A_156 = tpu.memref_squeeze %scatter3A_155 : memref<1x128x128xf32, #tpu.memory_space<vmem>> -> memref<128x128xf32, #tpu.memory_space<vmem>>
    tpu.vector_store_idx %scatter3A_156[%add3A_151, %add3A_151], %get3A_53 : memref<128x128xf32, #tpu.memory_space<vmem>>[vector<16xi32>, vector<16xi32>], vector<16xf32>,
    %add3A_157 = arith.constant 80 : i32
    %add3A_158 = vector.broadcast %add3A_157 : i32 to vector<16xi32>
    %add3A_159 = arith.addi %iota3A, %add3A_158 : vector<16xi32>
    %scatter3A_160 = arith.constant 1 : i32
    %scatter3A_161 = arith.constant 0 : i32
    %scatter3A_162 = arith.constant 0 : i32
    %scatter3A_163 = tpu.memref_slice %arg6[%scatter3A_160, %scatter3A_161, %scatter3A_162] : memref<2x128x128xf32, #tpu.memory_space<vmem>> -> memref<1x128x128xf32, #tpu.memory_space<vmem>>
    %scatter3A_164 = tpu.memref_squeeze %scatter3A_163 : memref<1x128x128xf32, #tpu.memory_space<vmem>> -> memref<128x128xf32, #tpu.memory_space<vmem>>
    tpu.vector_store_idx %scatter3A_164[%add3A_159, %add3A_159], %get3A_53 : memref<128x128xf32, #tpu.memory_space<vmem>>[vector<16xi32>, vector<16xi32>], vector<16xf32>,
    %add3A_165 = arith.constant 96 : i32
    %add3A_166 = vector.broadcast %add3A_165 : i32 to vector<16xi32>
    %add3A_167 = arith.addi %iota3A, %add3A_166 : vector<16xi32>
    %scatter3A_168 = arith.constant 1 : i32
    %scatter3A_169 = arith.constant 0 : i32
    %scatter3A_170 = arith.constant 0 : i32
    %scatter3A_171 = tpu.memref_slice %arg6[%scatter3A_168, %scatter3A_169, %scatter3A_170] : memref<2x128x128xf32, #tpu.memory_space<vmem>> -> memref<1x128x128xf32, #tpu.memory_space<vmem>>
    %scatter3A_172 = tpu.memref_squeeze %scatter3A_171 : memref<1x128x128xf32, #tpu.memory_space<vmem>> -> memref<128x128xf32, #tpu.memory_space<vmem>>
    tpu.vector_store_idx %scatter3A_172[%add3A_167, %add3A_167], %get3A_53 : memref<128x128xf32, #tpu.memory_space<vmem>>[vector<16xi32>, vector<16xi32>], vector<16xf32>,
    %add3A_173 = arith.constant 112 : i32
    %add3A_174 = vector.broadcast %add3A_173 : i32 to vector<16xi32>
    %add3A_175 = arith.addi %iota3A, %add3A_174 : vector<16xi32>
    %scatter3A_176 = arith.constant 1 : i32
    %scatter3A_177 = arith.constant 0 : i32
    %scatter3A_178 = arith.constant 0 : i32
    %scatter3A_179 = tpu.memref_slice %arg6[%scatter3A_176, %scatter3A_177, %scatter3A_178] : memref<2x128x128xf32, #tpu.memory_space<vmem>> -> memref<1x128x128xf32, #tpu.memory_space<vmem>>
    %scatter3A_180 = tpu.memref_squeeze %scatter3A_179 : memref<1x128x128xf32, #tpu.memory_space<vmem>> -> memref<128x128xf32, #tpu.memory_space<vmem>>
    tpu.vector_store_idx %scatter3A_180[%add3A_175, %add3A_175], %get3A_53 : memref<128x128xf32, #tpu.memory_space<vmem>>[vector<16xi32>, vector<16xi32>], vector<16xf32>,
    %add3A_181 = arith.constant 0 : i32
    %add3A_182 = arith.addi %mul3A_2, %add3A_181 : i32
    %dma_start3A_183 = arith.constant 0 : i32
    %dma_start3A_184 = arith.constant 0 : i32
    %dma_start3A_185 = arith.constant 0 : i32
    %dma_start3A_186 = tpu.memref_slice %arg6[%dma_start3A_183, %dma_start3A_184, %dma_start3A_185] : memref<2x128x128xf32, #tpu.memory_space<vmem>> -> memref<1x128x128xf32, #tpu.memory_space<vmem>>
    %dma_start3A_187 = tpu.memref_squeeze %dma_start3A_186 : memref<1x128x128xf32, #tpu.memory_space<vmem>> -> memref<128x128xf32, #tpu.memory_space<vmem>>
    %dma_start3A_188 = tpu.memref_slice %arg3[%add3A_182, %add3A_182] : memref<8192x8192xf32, #tpu.memory_space<hbm>> -> memref<128x128xf32, #tpu.memory_space<hbm>>
    %dma_start3A_189 = tpu.memref_slice %arg3[%add3A_182, %add3A_182] : memref<8192x8192xf32, #tpu.memory_space<hbm>> -> memref<128x128xf32, #tpu.memory_space<hbm>>
    %dma_start3A_190 = arith.constant 0 : i32
    %dma_start3A_191 = arith.constant 0 : i32
    %dma_start3A_192 = tpu.memref_slice %arg6[%dma_start3A_183, %dma_start3A_190, %dma_start3A_191] : memref<2x128x128xf32, #tpu.memory_space<vmem>> -> memref<1x128x128xf32, #tpu.memory_space<vmem>>
    %dma_start3A_193 = tpu.memref_squeeze %dma_start3A_192 : memref<1x128x128xf32, #tpu.memory_space<vmem>> -> memref<128x128xf32, #tpu.memory_space<vmem>>
    tpu.enqueue_dma source(%dma_start3A_193 : memref<128x128xf32, #tpu.memory_space<vmem>>) target(%dma_start3A_189 : memref<128x128xf32, #tpu.memory_space<hbm>>) target_semaphore(%arg7 : memref<!tpu.dma_semaphore, #tpu.memory_space<semaphore_mem>>)
    %add3A_194 = arith.constant 128 : i32
    %add3A_195 = arith.addi %mul3A_2, %add3A_194 : i32
    %dma_start3A_196 = arith.constant 1 : i32
    %dma_start3A_197 = arith.constant 0 : i32
    %dma_start3A_198 = arith.constant 0 : i32
    %dma_start3A_199 = tpu.memref_slice %arg6[%dma_start3A_196, %dma_start3A_197, %dma_start3A_198] : memref<2x128x128xf32, #tpu.memory_space<vmem>> -> memref<1x128x128xf32, #tpu.memory_space<vmem>>
    %dma_start3A_200 = tpu.memref_squeeze %dma_start3A_199 : memref<1x128x128xf32, #tpu.memory_space<vmem>> -> memref<128x128xf32, #tpu.memory_space<vmem>>
    %dma_start3A_201 = tpu.memref_slice %arg3[%add3A_195, %add3A_195] : memref<8192x8192xf32, #tpu.memory_space<hbm>> -> memref<128x128xf32, #tpu.memory_space<hbm>>
    %dma_start3A_202 = tpu.memref_slice %arg3[%add3A_195, %add3A_195] : memref<8192x8192xf32, #tpu.memory_space<hbm>> -> memref<128x128xf32, #tpu.memory_space<hbm>>
    %dma_start3A_203 = arith.constant 0 : i32
    %dma_start3A_204 = arith.constant 0 : i32
    %dma_start3A_205 = tpu.memref_slice %arg6[%dma_start3A_196, %dma_start3A_203, %dma_start3A_204] : memref<2x128x128xf32, #tpu.memory_space<vmem>> -> memref<1x128x128xf32, #tpu.memory_space<vmem>>
    %dma_start3A_206 = tpu.memref_squeeze %dma_start3A_205 : memref<1x128x128xf32, #tpu.memory_space<vmem>> -> memref<128x128xf32, #tpu.memory_space<vmem>>
    tpu.enqueue_dma source(%dma_start3A_206 : memref<128x128xf32, #tpu.memory_space<vmem>>) target(%dma_start3A_202 : memref<128x128xf32, #tpu.memory_space<hbm>>) target_semaphore(%arg7 : memref<!tpu.dma_semaphore, #tpu.memory_space<semaphore_mem>>)
    %add3A_207 = arith.constant 0 : i32
    %add3A_208 = arith.addi %mul3A_2, %add3A_207 : i32
    %dma_wait3A_209 = arith.constant 0 : i32
    %dma_wait3A_210 = arith.constant 0 : i32
    %dma_wait3A_211 = arith.constant 0 : i32
    %dma_wait3A_212 = tpu.memref_slice %arg6[%dma_wait3A_209, %dma_wait3A_210, %dma_wait3A_211] : memref<2x128x128xf32, #tpu.memory_space<vmem>> -> memref<1x128x128xf32, #tpu.memory_space<vmem>>
    %dma_wait3A_213 = tpu.memref_squeeze %dma_wait3A_212 : memref<1x128x128xf32, #tpu.memory_space<vmem>> -> memref<128x128xf32, #tpu.memory_space<vmem>>
    %dma_wait3A_214 = tpu.memref_slice %arg3[%add3A_208, %add3A_208] : memref<8192x8192xf32, #tpu.memory_space<hbm>> -> memref<128x128xf32, #tpu.memory_space<hbm>>
    %dma_wait3A_215 = tpu.memref_slice %arg3[%add3A_208, %add3A_208] : memref<8192x8192xf32, #tpu.memory_space<hbm>> -> memref<128x128xf32, #tpu.memory_space<hbm>>
    %dma_wait3A_216 = arith.constant 0 : i32
    %dma_wait3A_217 = arith.constant 0 : i32
    %dma_wait3A_218 = tpu.memref_slice %arg6[%dma_wait3A_209, %dma_wait3A_216, %dma_wait3A_217] : memref<2x128x128xf32, #tpu.memory_space<vmem>> -> memref<1x128x128xf32, #tpu.memory_space<vmem>>
    %dma_wait3A_219 = tpu.memref_squeeze %dma_wait3A_218 : memref<1x128x128xf32, #tpu.memory_space<vmem>> -> memref<128x128xf32, #tpu.memory_space<vmem>>
    tpu.wait_dma2 semaphore(%arg7 : memref<!tpu.dma_semaphore, #tpu.memory_space<semaphore_mem>>) src(%dma_wait3A_219 : memref<128x128xf32, #tpu.memory_space<vmem>>) dst(%dma_wait3A_215 : memref<128x128xf32, #tpu.memory_space<hbm>>)
    %add3A_220 = arith.constant 128 : i32
    %add3A_221 = arith.addi %mul3A_2, %add3A_220 : i32
    %dma_wait3A_222 = arith.constant 1 : i32
    %dma_wait3A_223 = arith.constant 0 : i32
    %dma_wait3A_224 = arith.constant 0 : i32
    %dma_wait3A_225 = tpu.memref_slice %arg6[%dma_wait3A_222, %dma_wait3A_223, %dma_wait3A_224] : memref<2x128x128xf32, #tpu.memory_space<vmem>> -> memref<1x128x128xf32, #tpu.memory_space<vmem>>
    %dma_wait3A_226 = tpu.memref_squeeze %dma_wait3A_225 : memref<1x128x128xf32, #tpu.memory_space<vmem>> -> memref<128x128xf32, #tpu.memory_space<vmem>>
    %dma_wait3A_227 = tpu.memref_slice %arg3[%add3A_221, %add3A_221] : memref<8192x8192xf32, #tpu.memory_space<hbm>> -> memref<128x128xf32, #tpu.memory_space<hbm>>
    %dma_wait3A_228 = tpu.memref_slice %arg3[%add3A_221, %add3A_221] : memref<8192x8192xf32, #tpu.memory_space<hbm>> -> memref<128x128xf32, #tpu.memory_space<hbm>>
    %dma_wait3A_229 = arith.constant 0 : i32
    %dma_wait3A_230 = arith.constant 0 : i32
    %dma_wait3A_231 = tpu.memref_slice %arg6[%dma_wait3A_222, %dma_wait3A_229, %dma_wait3A_230] : memref<2x128x128xf32, #tpu.memory_space<vmem>> -> memref<1x128x128xf32, #tpu.memory_space<vmem>>
    %dma_wait3A_232 = tpu.memref_squeeze %dma_wait3A_231 : memref<1x128x128xf32, #tpu.memory_space<vmem>> -> memref<128x128xf32, #tpu.memory_space<vmem>>
    tpu.wait_dma2 semaphore(%arg7 : memref<!tpu.dma_semaphore, #tpu.memory_space<semaphore_mem>>) src(%dma_wait3A_232 : memref<128x128xf32, #tpu.memory_space<vmem>>) dst(%dma_wait3A_228 : memref<128x128xf32, #tpu.memory_space<hbm>>)
    return
  }
}

module attributes {stable_mosaic.version = 14 : i64} {
  func.func @_copy_block(%arg0: i32, %arg1: memref<256x8192xf32, #tpu.memory_space<vmem>>, %arg2: memref<256x8192xf32, #tpu.memory_space<vmem>>) attributes {dimension_semantics = [#tpu.dimension_semantics<parallel>], iteration_bounds = array<i64: 32>, scalar_prefetch = 0 : i64, scratch_operands = 0 : i64, tpu.core_type = #tpu.core_type<tc>, window_params = [{transform_indices = @transform_0, window_bounds = array<i64: 256, 8192>}, {transform_indices = @transform_1, window_bounds = array<i64: 256, 8192>}]} {
    %get3A = arith.constant 0 : index
    %get3A_0 = arith.constant 0 : index
    %get3A_1 = vector.load %arg1[%get3A, %get3A_0] : memref<256x8192xf32, #tpu.memory_space<vmem>>, vector<256x8192xf32>
    %swap3A = arith.constant 0 : index
    %swap3A_2 = arith.constant 0 : index
    %swap3A_3 = vector.load %arg2[%swap3A, %swap3A_2] : memref<256x8192xf32, #tpu.memory_space<vmem>>, vector<256x8192xf32>
    tpu.vector_store %arg2[%swap3A, %swap3A_2], %get3A_1 {strides = array<i32>} : memref<256x8192xf32, #tpu.memory_space<vmem>>, vector<256x8192xf32>,
    return
  }
  func.func @transform_0(%arg0: i32) -> (i32, i32) {
    %c0_i32 = arith.constant 0 : i32
    %c0_i32_0 = arith.constant 0 : i32
    return %arg0, %c0_i32 : i32, i32
  }
  func.func @transform_1(%arg0: i32) -> (i32, i32) {
    %c0_i32 = arith.constant 0 : i32
    %c0_i32_0 = arith.constant 0 : i32
    return %arg0, %c0_i32 : i32, i32
  }
}

</mosaic_0001>

<sc_bundles>
// kernel: kernel.4.cloned.1.call-start
scs
__scs_entry_jumppad:
0x0: {  	(pc) =	sbr.rel $0x88, $3  }
0x1: {  	(tag) =	ssettag $0x0;
	lr =	simm.s32 $0x1  }
0x2: {  	[smem:$0x3F9F] =	sst lr;
	_ =	strace $0xD0000000  }
0x3: {  	_ = 	snop  }
0x4: {  	_ = 	snop  }
0x5: {  	_ = 	snop  }
0x6: {  	_ = 	snop  }
0x7: {  	_ = 	snop  }
__scs_overlays_trampoline_lowered:
0x8: {  	[smem:$0x3FAE] =	sst s0  }
0x9: {  	[smem:$0x3FAF] =	sst s1  }
0xa: {  	[smem:$0x3FB0] =	sst s2  }
0xb: {  	[smem:$0x3FB1] =	sst s3  }
0xc: {  	[smem:$0x3FB2] =	sst s4  }
0xd: {  	[smem:$0x3FB3] =	sst s5  }
0xe: {  	[smem:$0x3FB4] =	sst s6  }
0xf: {  	[smem:$0x3FB5] =	sst s7  }
0x10: {  	[smem:$0x3FB6] =	sst s8  }
0x11: {  	[smem:$0x3FB7] =	sst s9;
	s0 =	simm.s32 @!p0 $0x0  }
0x12: {  	s1 =	sld [smem:$0x3F9D];
	s0 =	simm.s32 @p0 $0x1  }
0x13: {  	[smem:$0x3FB8] =	sst s0;
	s0 =	simm.s32 @!p1 $0x0  }
0x14: {  	s2 =	sld [smem:$0x3F9C];
	s0 =	simm.s32 @p1 $0x1  }
0x15: {  	[smem:$0x3FB9] =	sst s0;
	s0 =	simm.s32 @!p2 $0x0  }
0x16: {  	s3 =	sld [smem:$0x3FDB];
	s0 =	simm.s32 @p2 $0x1  }
0x17: {  	s4 =	simm.s32 $0x1BF5;
	[smem:$0x3FBB] =	sst s0  }
0x18: {  	s0 =	sld [smem:$0x3F9E];
	_ =	swait.ge [sflag:s4], $0x0  }
0x19: {  	s7 =	sld [smem:$0x3F9F]  }
0x1a: {  	s8 =	sadd.s32 $0xFFFFE003, lr  }
0x1b: {  	s9 =	sadd.s32 $0xFFFFFEF7, lr;
	s5 =	simm.s32 $0xFFFFFFFF;
	p2 =	slt.u32 s8, $0xFFFFF086  }
0x1c: {  	p1 =	slt.u32 s9, $0xF7A;
	s5 =	simm.s32 @!p2 $0x0  }
0x1d: {  	s5 =	simm.s32 @p1 $0x1;
	p0 =	seq.s32 s7, s2  }
0x1e: {  	s7 =	smul.u32 @!p0 $0xF7A, s2;
	p2 =	seq.s32 @!p0 s5, $0x0  }
0x1f: {  	s9 =	smul.u32 $0xF7A, s1;
	s8 =	simm.s32 @!p0 $0x1BF5;
	p2 =	por !p2, p0  }
0x20: {  	[sflag:s8] =	ssyncset.s32 @!p0 $0xFFFFF086;
	s6 =	sadd.s32 @!p0 s3, s7;
	s7 =	simm.s32 @!p0 $0x108  }
0x21: {  	s3 =	sadd.s32 s3, s9;
	s6 =	sadd.s32 @!p0 $0x88, s6;
	s7 =	simm.s32 @p2 $0x1082  }
0x22: {  	[simem:s7], [sflag:s8] =	dma.local @!p0 [hbm:s6], $0xF7A  }
0x23: {  	s9 =	sor.u32 $0xD0000000, s2;
	s6 =	simm.s32 $0x108;
	_ =	swait.ge @!p0 [sflag:s8], $0x0  }
0x24: {  	s3 =	sadd.s32 $0x88, s3;
	s6 =	simm.s32 @!p1 $0x1082;
	[sflag:s4] =	ssyncset.s32 $0xFFFFF086  }
0x25: {  	[simem:s6], [sflag:s4] =	dma.local [hbm:s3], $0xF7A  }
0x26: {  	[smem:$0x3F9F] =	sst s1;
	(tag) =	ssettag s2;
	_ =	strace s9  }
0x27: {  	s1 =	sld [smem:$0x3FAF]  }
0x28: {  	s2 =	sld [smem:$0x3FB0]  }
0x29: {  	s4 =	sld [smem:$0x3FB2]  }
0x2a: {  	p0 =	seq.s32 s5, $0x0;
	s5 =	sld [smem:$0x3FB3]  }
0x2b: {  	s6 =	sld [smem:$0x3FB4]  }
0x2c: {  	s7 =	sld [smem:$0x3FB5]  }
0x2d: {  	s3 =	simm.s32 $0x108;
	s8 =	sld [smem:$0x3FB6]  }
0x2e: {  	s3 =	simm.s32 @!p0 $0x1082;
	s9 =	sld [smem:$0x3FB7]  }
0x2f: {  	lr =	sadd.s32 s0, s3;
	s0 =	sld [smem:$0x3FAE]  }
0x30: {  	s3 =	sld [smem:$0x3FB1]  }
0x31: {  	[smem:$0x3FBA] =	sst s10  }
0x32: {  	s10 =	sld [smem:$0x3FB8];
	_ =	sdelay $0x3  }
0x33: {  	p0 =	seq.s32 s10, $0x1;
	s10 =	sld [smem:$0x3FBA];
	_ =	sdelay $0x3  }
0x34: {  	[smem:$0x3FBA] =	sst s10  }
0x35: {  	s10 =	sld [smem:$0x3FB9];
	_ =	sdelay $0x3  }
0x36: {  	p1 =	seq.s32 s10, $0x1;
	s10 =	sld [smem:$0x3FBA];
	_ =	sdelay $0x3  }
0x37: {  	[smem:$0x3FBA] =	sst s10  }
0x38: {  	s10 =	sld [smem:$0x3FBB]  }
0x39: {  	_ = 	snop;
	(pc) =	sbr.ind lr, $3  }
0x3a: {  	_ = 	snop  }
0x3b: {  	_ = 	snop  }
0x3c: {  	p2 =	seq.s32 s10, $0x1;
	s10 =	sld [smem:$0x3FBA]  }
0x3d: {  	_ =	shalt  }
0x3e: {  	_ =	shalt  }
0x3f: {  	_ =	shalt  }
0x40: {  	_ =	shalt  }
0x41: {  	_ =	shalt  }
0x42: {  	_ =	shalt  }
0x43: {  	_ =	shalt  }
0x44: {  	_ =	shalt  }
0x45: {  	_ =	shalt  }
0x46: {  	_ =	shalt  }
0x47: {  	_ =	shalt  }
0x48: {  	_ =	shalt  }
0x49: {  	_ =	shalt  }
0x4a: {  	_ =	shalt  }
0x4b: {  	_ =	shalt  }
0x4c: {  	_ =	shalt  }
0x4d: {  	_ =	shalt  }
0x4e: {  	_ =	shalt  }
0x4f: {  	_ =	shalt  }
0x50: {  	_ =	shalt  }
0x51: {  	_ =	shalt  }
0x52: {  	_ =	shalt  }
0x53: {  	_ =	shalt  }
0x54: {  	_ =	shalt  }
0x55: {  	_ =	shalt  }
0x56: {  	_ =	shalt  }
0x57: {  	_ =	shalt  }
0x58: {  	_ =	shalt  }
0x59: {  	_ =	shalt  }
0x5a: {  	_ =	shalt  }
0x5b: {  	_ =	shalt  }
0x5c: {  	_ =	shalt  }
0x5d: {  	_ =	shalt  }
0x5e: {  	_ =	shalt  }
0x5f: {  	_ =	shalt  }
0x60: {  	_ =	shalt  }
0x61: {  	_ =	shalt  }
0x62: {  	_ =	shalt  }
0x63: {  	_ =	shalt  }
0x64: {  	_ =	shalt  }
0x65: {  	_ =	shalt  }
0x66: {  	_ =	shalt  }
0x67: {  	_ =	shalt  }
0x68: {  	_ =	shalt  }
0x69: {  	_ =	shalt  }
0x6a: {  	_ =	shalt  }
0x6b: {  	_ =	shalt  }
0x6c: {  	_ =	shalt  }
0x6d: {  	_ =	shalt  }
0x6e: {  	_ =	shalt  }
0x6f: {  	_ =	shalt  }
0x70: {  	_ =	shalt  }
0x71: {  	_ =	shalt  }
0x72: {  	_ =	shalt  }
0x73: {  	_ =	shalt  }
0x74: {  	_ =	shalt  }
0x75: {  	_ =	shalt  }
0x76: {  	_ =	shalt  }
0x77: {  	_ =	shalt  }
0x78: {  	_ =	shalt  }
0x79: {  	_ =	shalt  }
0x7a: {  	_ =	shalt  }
0x7b: {  	_ =	shalt  }
0x7c: {  	_ =	shalt  }
0x7d: {  	_ =	shalt  }
0x7e: {  	_ =	shalt  }
0x7f: {  	_ =	shalt  }
0x80: {  	_ =	shalt  }
0x81: {  	_ =	shalt  }
0x82: {  	_ =	shalt  }
0x83: {  	_ =	shalt  }
0x84: {  	_ =	shalt  }
0x85: {  	_ =	shalt  }
0x86: {  	_ =	shalt  }
0x87: {  	_ =	shalt  }
.Lfunc_end0:
.L_simem_size_0:
called_computation_lowered:
.L_overlay_start_0:
0x88: {  	s2 =	sld [smem:$0x3FD9]  }
0x89: {  	s3 =	sld [smem:$0x3FFE];
	_ =	sdelay $0x1  }
0x8a: {  	s1 =	srdreg.scid  }
0x8b: {  	s0 =	sand.u32 $0x1, s1  }
0x8c: {  	s17 =	sshll.u32 s0, $0xA;
	s2 =	sadd.s32 s3, s2  }
0x8d: {  	s2 =	sadd.s32 s2, s17  }
0x8e: {  	[smem:$0x3FC6] =	sst s2  }
0x8f: {  	_ = 	snop  }
0x90: {  	s2 =	sld [smem:$0x3FD0];
	(tm) =	ssettm $0x1  }
0x91: {  	s18 =	sld [smem:$0x3FFB];
	_ =	sdelay $0x3  }
0x92: {  	_ =	strace s18  }
0x93: {  	s3 =	sld [smem:$0x3FFC];
	_ =	sdelay $0x3  }
0x94: {  	_ =	strace s3  }
0x95: {  	s3 =	sld [smem:$0x3FFD];
	_ =	sdelay $0x3  }
0x96: {  	_ =	strace s3  }
0x97: {  	_ =	strace $0x8FFFFFFF  }
0x98: {  	s19 =	sld [smem:$0x3FDB];
	_ =	sdelay $0x1  }
0x99: {  	s4 =	simm.s32 $_scs_section_size  }
0x9a: {  	s5 =	simm.s32 $_size__tile_overlayer_lowered;
	s6 =	simm.s32 $_tile_overlayer_lowered  }
0x9b: {  	s22 =	simm.s32 $0x1BFF;
	s21 =	sshll.u32 s6, $0x1;
	s3 =	sadd.s32 s4, s19  }
0x9c: {  	s7 =	simm.s32 $0x0;
	s20 =	sshll.u32 s5, $0x1;
	s5 =	sadd.s32 s21, s3  }
0x9d: {  	[timem:s7], [sflag:s22] =	dma.local [hbm:s5], s20  }
0x9e: {  	_ =	swait.ge [sflag:s22], s20  }
0x9f: {  	s4 =	ssub.s32 $0x0, s20;
	[sflag:s22] =	ssyncset.done $0x0  }
0xa0: {  	[sflag:s22] =	ssyncadd.s32 s4;
	_ =	sdelay $0x1  }
0xa1: {  	s23 =	simm.s32 $0x1B8B  }
0xa2: {  	_ =	swait.ge [sflag:s23], $0x1  }
0xa3: {  	[sflag:s23] =	ssyncset.done $0x0  }
0xa4: {  	s25 =	simm.s32 $0x1B8E;
	s24 =	sld [smem:$0x3FFE];
	[sflag:s23] =	ssyncadd.s32 $0xFFFFFFFF  }
0xa5: {  	s26 =	simm.s32 $execute0_lowered;
	[smem:$0x3FD2] =	sst s25  }
0xa6: {  	s5 =	sshll.u32 s26, $0x1;
	_ =	strace $0x80000046;
	[dreg:$0x1] =	wrdreg $0xFFFFFFFF  }
0xa7: {  	s28 =	simm.s32 $_size_execute0_lowered;
	s3 =	sadd.s32 s3, s5;
	[dreg:$0x0] =	wrdreg $0x0  }
0xa8: {  	s5 =	sshll.u32 s28, $0x1;
	[dreg:$0x2] =	wrdreg s3  }
0xa9: {  	[dreg:$0x3] =	wrdreg s5  }
0xaa: {  	[dreg:$0x4] =	wrdreg $0xC0  }
0xab: {  	_ =	task [dreg:s7], $0x5FFFF  }
0xac: {  	[dreg:$0x1] =	wrdreg $0xFFFFFFFF  }
0xad: {  	[dreg:$0x0] =	wrdreg $0x60  }
0xae: {  	[dreg:$0x2] =	wrdreg s24  }
0xaf: {  	[dreg:$0x3] =	wrdreg s2  }
0xb0: {  	[dreg:$0x4] =	wrdreg $0x9  }
0xb1: {  	_ =	task.clear_ibuf [dreg:s7], $0x5FFFF;
	_ =	strace $0x90000046  }
0xb2: {  	s29 =	simm.s32 $0x9;
	_ =	strace $0x80000048  }
0xb3: {  	_ =	swait.ge [sflag:s29], $0x1  }
0xb4: {  	[sflag:s29] =	ssyncadd.s32 $0xFFFFFFFF  }
0xb5: {  	_ =	strace $0x90000048  }
0xb6: {  	_ =	sfence  }
0xb7: {  	s30 =	sld [smem:$0x0];
	_ =	sdelay $0x2  }
0xb8: {  	s31 =	sshll.u32 s1, $0xD;
	s1 =	sshrl.u32 s1, $0x2  }
0xb9: {  	s3 =	sand.u32 $0x4000, s31;
	s1 =	sadd.s32 s1, s30  }
0xba: {  	s0 =	sor.u32 s3, s0;
	s1 =	sshll.u32 s1, $0x11  }
0xbb: {  	s0 =	sor.u32 s1, s0  }
0xbc: {  	s0 =	sadd.s32 $0x8F2B, s0  }
0xbd: {  	[sflag:s0] =	ssyncadd.remote.s32 $0x1  }
0xbe: {  	_ =	sfence.sel $0xFFFF  }
0xbf: {  	[dreg:$0x0] =	wrdreg $0xFFFFFFFF;
	(pc) =	sbr.abs _section_cstart, $3  }
0xc0: {  	[dreg:$0x1] =	wrdreg $0xFFFFFFFF  }
0xc1: {  	_ =	task.clear_ibuf [dreg:s7], $0x2FFFF;
	_ =	strace $0x9FFFFFFF  }
0xc2: {  	(tm) =	ssettm $0x7FFFFFFF  }
0xc3: {  	_ =	shalt  }
tec
execute0_lowered:
.L_overlay_start_1:
0x0: {  	(tag) =	ssettag $0x1  }
0x1: {  	s2 =	srdreg.scid  }
0x2: {  	s3 =	rddreg [dreg:$0x0];
	s1 =	stileid.u32;
	s12 =	sand.u32 $0x1, s2  }
0x3: {  	s6 =	rddreg [dreg:$0x1];
	s4 =	sshll.u32 s1, $0x9;
	s5 =	sshll.u32 s12, $0x8  }
0x4: {  	s0 =	rddreg [dreg:$0x2];
	s2 =	simm.s32 $0x0;
	s4 =	sor.u32 s5, s4  }
0x5: {  	s3 =	sadd.s32 $0x400, s3;
	[smem:$0x7FF] =	sst s2;
	s5 =	smul.u32 $0x401, s4  }
0x6: {  	_ =	strace $0x80000047;
	s7 =	smul.u32 $0x2008, s4;
	s4 =	simm.s32 $0x2  }
0x7: {  	[tilespmem:s2], [sflag:$0x2] =	stream.linear.gather [hbm4b:s3+s2], $0x80, $0x38;
	[tilespmem:$0x8080] =	vst v63  }
0x8: {  	s8 =	simm.s32 $0x80;
	_ =	swait.ge [sflag:s4], $0x80;
	s7 =	sshrl.u32 s7, $0x3  }
0x9: {  	s5 =	sadd.s32 s6, s5;
	[sflag:s4] =	ssyncset.done $0x0;
	s9 =	sadd.s32 s6, s7  }
0xa: {  	s6 =	simm.s32 $0x400;
	s7 =	simm.s32 $0x10000;
	[sflag:s4] =	ssyncadd.s32 $0xFFFFFF80  }
0xb: {  	[tilespmem:s8], [sflag:$0x1] =	stream.strided.gather [hbm4b:s5+s6], $0x4000, s7, s6, $0x38;
	[tilespmem:$0x8080] =	vst v63  }
0xc: {  	s11 =	simm.s32 $0x4080;
	s10 =	simm.s32 $0x1;
	s9 =	sadd.s32 $0x20080, s9  }
0xd: {  	[tilespmem:s11], [sflag:$0x1] =	stream.strided.gather [hbm4b:s9+s6], $0x4000, s7, s6, $0x38;
	[tilespmem:$0x8080] =	vst v63  }
0xe: {  	_ =	swait.ge [sflag:s10], $0x4000  }
0xf: {  	[sflag:s10] =	ssyncset.done $0x0  }
0x10: {  	[sflag:s10] =	ssyncadd.s32 $0xFFFFC000  }
0x11: {  	_ =	swait.ge [sflag:s10], $0x4000  }
0x12: {  	v0 =	vlaneseq.u32;
	[sflag:s10] =	ssyncset.done $0x0  }
0x13: {  	v0 =	vmul.u32 $0x81, v0;
	[sflag:s10] =	ssyncadd.s32 $0xFFFFC000  }
0x14: {  	v8 =	vld [tilespmem:$0x0]  }
0x15: {  	v1 =	vadd.s32 $0x810, v0  }
0x16: {  	v2 =	vadd.s32 $0x1020, v0  }
0x17: {  	v3 =	vadd.s32 $0x1830, v0  }
0x18: {  	v4 =	vadd.s32 $0x2040, v0  }
0x19: {  	v5 =	vadd.s32 $0x2850, v0;
	[tilespmem:v0+s8+$0x0] =	vst.idx.msk $0xffff, v8  }
0x1a: {  	v6 =	vadd.s32 $0x3060, v0;
	[tilespmem:v1+s8+$0x0] =	vst.idx.msk $0xffff, v8  }
0x1b: {  	v7 =	vadd.s32 $0x3870, v0;
	[tilespmem:v2+s8+$0x0] =	vst.idx.msk $0xffff, v8  }
0x1c: {  	[tilespmem:v3+s8+$0x0] =	vst.idx.msk $0xffff, v8  }
0x1d: {  	[tilespmem:v4+s8+$0x0] =	vst.idx.msk $0xffff, v8  }
0x1e: {  	[tilespmem:v5+s8+$0x0] =	vst.idx.msk $0xffff, v8  }
0x1f: {  	[tilespmem:v6+s8+$0x0] =	vst.idx.msk $0xffff, v8  }
0x20: {  	[tilespmem:v7+s8+$0x0] =	vst.idx.msk $0xffff, v8  }
0x21: {  	[tilespmem:v0+s11+$0x0] =	vst.idx.msk $0xffff, v8  }
0x22: {  	[tilespmem:v1+s11+$0x0] =	vst.idx.msk $0xffff, v8  }
0x23: {  	[tilespmem:v2+s11+$0x0] =	vst.idx.msk $0xffff, v8  }
0x24: {  	[tilespmem:v3+s11+$0x0] =	vst.idx.msk $0xffff, v8  }
0x25: {  	s12 =	ssub.s32 $0x2, s12;
	[tilespmem:v4+s11+$0x0] =	vst.idx.msk $0xffff, v8  }
0x26: {  	s13 =	sshrl.u32 s12, $0x1;
	[tilespmem:v5+s11+$0x0] =	vst.idx.msk $0xffff, v8  }
0x27: {  	s12 =	ssub.s32 s12, s13;
	[tilespmem:v6+s11+$0x0] =	vst.idx.msk $0xffff, v8  }
0x28: {  	s12 =	smax.u32 s12, $0x1;
	[tilespmem:v7+s11+$0x0] =	vst.idx.msk $0xffff, v8  }
0x29: {  	[hbm4b:s5+s6] =	stream.strided.scatter [tilespmem:s8], [sflag:$0x1], $0x4000, s7, s6, $0x38;
	[tilespmem:$0x8080] =	vst v63  }
0x2a: {  	p0 =	sne.s32 s12, $0x1  }
0x2b: {  	[hbm4b:s9+s6] =	stream.strided.scatter [tilespmem:s11], [sflag:$0x1], $0x4000, s7, s6, $0x38;
	[tilespmem:$0x8080] =	vst v63  }
.Ltmp0:
0x2c: {  	_ =	swait.ge [sflag:s10], $0x4000;
	(pc) =	sbr.rel @!p0 .LBB2_2-.Ltmp0, $4  }
0x2d: {  	[sflag:s10] =	ssyncset.done $0x0  }
0x2e: {  	[sflag:s10] =	ssyncadd.s32 $0xFFFFC000  }
0x2f: {  	_ =	swait.ge [sflag:s10], $0x4000  }
0x30: {  	s12 =	sadd.s32 $0xFFFFFFFF, s12;
	[sflag:s10] =	ssyncset.done $0x0  }
.LBB2_1:
0x31: {  	p0 =	sne.s32 s12, $0x1;
	s12 =	sadd.s32 $0xFFFFFFFF, s12;
	[sflag:s10] =	ssyncadd.s32 $0xFFFFC000  }
0x32: {  	[tilespmem:s2], [sflag:$0x2] =	stream.linear.gather [hbm4b:s3+s2], $0x80, $0x38;
	[tilespmem:$0x8080] =	vst v63  }
0x33: {  	_ =	swait.ge [sflag:s4], $0x80  }
0x34: {  	[sflag:s4] =	ssyncset.done $0x0  }
0x35: {  	[sflag:s4] =	ssyncadd.s32 $0xFFFFFF80  }
0x36: {  	[tilespmem:s8], [sflag:$0x1] =	stream.strided.gather [hbm4b:s5+s6], $0x4000, s7, s6, $0x38;
	[tilespmem:$0x8080] =	vst v63  }
0x37: {  	_ = 	snop  }
0x38: {  	[tilespmem:s11], [sflag:$0x1] =	stream.strided.gather [hbm4b:s9+s6], $0x4000, s7, s6, $0x38;
	[tilespmem:$0x8080] =	vst v63  }
0x39: {  	_ =	swait.ge [sflag:s10], $0x4000  }
0x3a: {  	[sflag:s10] =	ssyncset.done $0x0  }
0x3b: {  	[sflag:s10] =	ssyncadd.s32 $0xFFFFC000  }
0x3c: {  	_ =	swait.ge [sflag:s10], $0x4000  }
0x3d: {  	[sflag:s10] =	ssyncset.done $0x0  }
0x3e: {  	[sflag:s10] =	ssyncadd.s32 $0xFFFFC000  }
0x3f: {  	v8 =	vld [tilespmem:$0x0];
	_ =	sdelay $0x4  }
0x40: {  	[tilespmem:v0+s8+$0x0] =	vst.idx.msk $0xffff, v8  }
0x41: {  	[tilespmem:v1+s8+$0x0] =	vst.idx.msk $0xffff, v8  }
0x42: {  	[tilespmem:v2+s8+$0x0] =	vst.idx.msk $0xffff, v8  }
0x43: {  	[tilespmem:v3+s8+$0x0] =	vst.idx.msk $0xffff, v8  }
0x44: {  	[tilespmem:v4+s8+$0x0] =	vst.idx.msk $0xffff, v8  }
0x45: {  	[tilespmem:v5+s8+$0x0] =	vst.idx.msk $0xffff, v8  }
0x46: {  	[tilespmem:v6+s8+$0x0] =	vst.idx.msk $0xffff, v8  }
0x47: {  	[tilespmem:v7+s8+$0x0] =	vst.idx.msk $0xffff, v8  }
0x48: {  	[tilespmem:v0+s11+$0x0] =	vst.idx.msk $0xffff, v8  }
0x49: {  	[tilespmem:v1+s11+$0x0] =	vst.idx.msk $0xffff, v8  }
0x4a: {  	[tilespmem:v2+s11+$0x0] =	vst.idx.msk $0xffff, v8  }
0x4b: {  	[tilespmem:v3+s11+$0x0] =	vst.idx.msk $0xffff, v8  }
0x4c: {  	[tilespmem:v4+s11+$0x0] =	vst.idx.msk $0xffff, v8  }
0x4d: {  	[tilespmem:v5+s11+$0x0] =	vst.idx.msk $0xffff, v8  }
0x4e: {  	[tilespmem:v6+s11+$0x0] =	vst.idx.msk $0xffff, v8  }
0x4f: {  	[tilespmem:v7+s11+$0x0] =	vst.idx.msk $0xffff, v8  }
0x50: {  	[hbm4b:s5+s6] =	stream.strided.scatter [tilespmem:s8], [sflag:$0x1], $0x4000, s7, s6, $0x38;
	[tilespmem:$0x8080] =	vst v63  }
0x51: {  	_ = 	snop  }
0x52: {  	[hbm4b:s9+s6] =	stream.strided.scatter [tilespmem:s11], [sflag:$0x1], $0x4000, s7, s6, $0x38;
	[tilespmem:$0x8080] =	vst v63  }
.Ltmp1:
0x53: {  	_ =	swait.ge [sflag:s10], $0x4000;
	(pc) =	sbr.rel @p0 .LBB2_1-.Ltmp1, $4  }
0x54: {  	[sflag:s10] =	ssyncset.done $0x0  }
0x55: {  	[sflag:s10] =	ssyncadd.s32 $0xFFFFC000  }
0x56: {  	_ =	swait.ge [sflag:s10], $0x4000  }
0x57: {  	[sflag:s10] =	ssyncset.done $0x0  }
.LBB2_2:
0x58: {  	[sflag:s10] =	ssyncadd.s32 $0xFFFFC000  }
0x59: {  	_ =	sfence.sel $0x180000  }
0x5a: {  	[bflag:$0x0] =	sbarrier.arrive $0xFFFF  }
0x5b: {  	p0 =	sne.s32 s1, $0x0;
	_ =	strace $0x90000047  }
0x5c: {  	s0 =	sadd.s32 @!p0 $0x100000, s0;
	[bflag:$0x2] =	sbarrier.arrive $0xFFFF  }
0x5d: {  	[sflag:s0] =	ssyncadd.tile.s32 @!p0 $0x1;
	_ =	shalt  }
.Lfunc_end2:
_tile_overlayer_lowered:
.L_overlay_start_2:
0x5e: {  	(tag) =	ssettag $0x2  }
0x5f: {  	s0 =	rddreg [dreg:$0x0];
	s2 =	stileid.u32  }
0x60: {  	s1 =	rddreg [dreg:$0x1];
	p0 =	sne.s32 s2, $0x0  }
0x61: {  	s3 =	rddreg [dreg:$0x2];
	[bflag:$0x3] =	sbarrier.arrive $0xFFFF;
	s2 =	simm.s32 @!p0 $0x1C02  }
0x62: {  	[timem:s3], [sflag:s2] =	dma.local @!p0 [hbm:s0], s1  }
0x63: {  	s0 =	simm.s32 @!p0 $0x2  }
0x64: {  	_ =	swait.ge @!p0 [sflag:s0], s1  }
0x65: {  	s1 =	ssub.s32 @!p0 $0x0, s1;
	[sflag:s0] =	ssyncset.done @!p0 $0x0  }
0x66: {  	[sflag:s0] =	ssyncadd.s32 @!p0 s1  }
0x67: {  	[bflag:$0x3] =	sbarrier.arrive $0xFFFF  }
0x68: {  	_ =	shalt  }

</sc_bundles>
